<compile_context>
chip_gen: v7x
topology: tpu7x:2x2x1
jax: 0.10.2.dev20260603
libtpu: 0.0.44.dev20260713+nightly
codegen_flags: <defaults>
</compile_context>

<pallas_src>
import functools

import jax
import jax.numpy as jnp
from jax.experimental import pallas as pl
from jax.experimental.pallas import tpu as pltpu

_TEMPERATURE = 0.1
_EPSILON = 0.05
_N_SK_ITERS = 3
_LOSS_SWAV_W = 1.0
_PAD = -1e30


def _col_mask(k_real):
    c = jax.lax.broadcasted_iota(jnp.int32, (24, 128), 0)
    l = jax.lax.broadcasted_iota(jnp.int32, (24, 128), 1)
    return c * 128 + l < k_real


def _pass1_body(nsteps, k_real, s0_ref, a_ref, mb_ref, m_ref, alpha_ref,
                m_scr, p_scr):
    i = pl.program_id(0)

    @pl.when(i == 0)
    def _init():
        m_scr[...] = jnp.full(m_scr.shape, -jnp.inf, m_scr.dtype)
        p_scr[...] = jnp.zeros(p_scr.shape, p_scr.dtype)

    x = s0_ref[...] * (1.0 / _EPSILON)
    bm = jnp.max(x, axis=0)
    m_old = m_scr[...]
    m_new = jnp.maximum(m_old, bm)
    e = jnp.exp(x - m_new[None])
    nb = x.shape[0]
    a_ref[...] = e.astype(a_ref.dtype).reshape(nb // 2, 48, 128)
    mb_ref[0] = m_new
    p_scr[...] = p_scr[...] * jnp.exp(m_old - m_new) + jnp.sum(e, axis=0)
    m_scr[...] = m_new

    @pl.when(i == nsteps - 1)
    def _fin():
        m_ref[...] = m_scr[...]
        alpha_ref[...] = jnp.where(
            _col_mask(k_real), (1.0 / k_real) / p_scr[...], 0.0)


def _qp_body(nsteps, n_total, k_real, a_ref, mb_ref, m_ref, alpha_ref,
             alpha_out_ref, p_scr, al_scr):
    i = pl.program_id(0)
    j = i % nsteps

    @pl.when(i == 0)
    def _seed():
        al_scr[...] = alpha_ref[...]

    @pl.when(j == 0)
    def _init():
        p_scr[...] = jnp.zeros(p_scr.shape, p_scr.dtype)

    gamma = jnp.exp(mb_ref[0] - m_ref[...])
    nb2 = a_ref.shape[0]
    a = a_ref[...].astype(jnp.float32).reshape(nb2 * 2, 24, 128)
    w = a * (gamma * al_scr[...])[None]
    q = jnp.sum(w, axis=(1, 2))
    beta = (1.0 / n_total) / q
    p_scr[...] = p_scr[...] + jnp.sum(a * beta[:, None, None], axis=0) * gamma

    @pl.when(j == nsteps - 1)
    def _fin():
        nxt = jnp.where(_col_mask(k_real), (1.0 / k_real) / p_scr[...], 0.0)
        al_scr[...] = nxt
        alpha_out_ref[...] = nxt


def _loss_body(a_ref, sv_ref, mb_ref, m_ref, alpha_ref, out_ref):
    i = pl.program_id(0)

    @pl.when(i == 0)
    def _init():
        out_ref[0, 0] = 0.0

    gamma = jnp.exp(mb_ref[0] - m_ref[...])
    nb2 = a_ref.shape[0]
    a = a_ref[...].astype(jnp.float32).reshape(nb2 * 2, 24, 128)
    w = a * (gamma * alpha_ref[...])[None]
    q = jnp.sum(w, axis=(1, 2))
    t = sv_ref[...] * (1.0 / _TEMPERATURE)
    num = jnp.sum(w * t, axis=(1, 2))
    mx = jnp.max(t, axis=(1, 2))
    lse = mx + jnp.log(jnp.sum(jnp.exp(t - mx[:, None, None]), axis=(1, 2)))
    out_ref[0, 0] += jnp.sum(num / q - lse)


def kernel(projs, scores, regions_idxs):
    del projs, regions_idxs
    view_m = scores.shape[0]
    k = scores.shape[-1]
    n = scores.shape[1] * scores.shape[2]
    kp = ((k + 127) // 128) * 128
    xp5 = jnp.pad(
        scores, ((0, 0), (0, 0), (0, 0), (0, kp - k)),
        constant_values=jnp.float32(_PAD),
    ).reshape(view_m, scores.shape[1], scores.shape[2], kp // 128, 128)
    xp5 = jax.lax.optimization_barrier(xp5)
    xp = xp5.reshape(view_m * n, kp // 128, 128)

    nb = 448
    grid = n // nb

    blk = pl.BlockSpec((nb, 24, 128), lambda i: (i, 0, 0))
    a_blk = pl.BlockSpec((nb // 2, 48, 128), lambda i: (i, 0, 0))
    vec = pl.BlockSpec((24, 128), lambda i: (0, 0))
    mb_spec = pl.BlockSpec((1, 24, 128), lambda i: (i, 0, 0))

    a_mat, m_b, m, alpha = pl.pallas_call(
        functools.partial(_pass1_body, grid, k),
        grid=(grid,),
        in_specs=[blk],
        out_specs=[a_blk, mb_spec, vec, vec],
        out_shape=[
            jax.ShapeDtypeStruct((n // 2, 48, 128), jnp.bfloat16),
            jax.ShapeDtypeStruct((grid, 24, 128), jnp.float32),
            jax.ShapeDtypeStruct((24, 128), jnp.float32),
            jax.ShapeDtypeStruct((24, 128), jnp.float32),
        ],
        scratch_shapes=[pltpu.VMEM((24, 128), jnp.float32)] * 2,
    )(xp)

    n_it = _N_SK_ITERS - 1
    qp_call = pl.pallas_call(
        functools.partial(_qp_body, grid, n, k),
        grid=(n_it * grid,),
        in_specs=[
            pl.BlockSpec((nb // 2, 48, 128), lambda i: (i % 14, 0, 0)),
            pl.BlockSpec((1, 24, 128), lambda i: (i % 14, 0, 0)),
            vec, vec],
        out_specs=vec,
        out_shape=jax.ShapeDtypeStruct((24, 128), jnp.float32),
        scratch_shapes=[pltpu.VMEM((24, 128), jnp.float32)] * 2,
    )
    alpha = qp_call(a_mat, m_b, m, alpha)

    loss = jnp.float32(0.0)
    for v in range(1, view_m):
        sv_blk = pl.BlockSpec((nb, 24, 128), lambda i, v=v: (i + v * grid, 0, 0))
        out = pl.pallas_call(
            _loss_body,
            grid=(grid,),
            in_specs=[a_blk, sv_blk, mb_spec, vec, vec],
            out_specs=pl.BlockSpec(memory_space=pltpu.SMEM),
            out_shape=jax.ShapeDtypeStruct((1, 1), jnp.float32),
        )(a_mat, xp, m_b, m, alpha)
        loss = loss - out[0, 0] / n
    loss = loss / (view_m - 1)
    return _LOSS_SWAV_W * loss

# --- scband reference (transcript-rebuilt; emitter-appended) ---
"""Pipeline reference for scband-dense-sw-avcriterion-17411797418286 (READ-ONLY COPY).

The authoritative reference and input builder live on the scoring server;
editing this copy changes nothing except your own understanding.
"""

import jax, jax.numpy as jnp
import numpy as np

TEMPERATURE = 0.1
EPSILON = 0.05
N_SK_ITERS = 3
LOSS_SWAV_W = 1.0


def setup_inputs(seed: int = 0) -> dict:
    key = jax.random.key(seed)
    k1, k2, k3 = jax.random.split(key, 3)
    projs = jax.random.normal(k1, (2, 32, 196, 128), dtype=jnp.float32)
    scores = jax.random.normal(k2, (2, 32, 196, 3000), dtype=jnp.float32)
    regions_idxs = jax.random.randint(k3, (2, 32, 196), 0, 49, dtype=jnp.int32)
    return {"projs": projs, "scores": scores, "regions_idxs": regions_idxs}


def _sinkhornknopp(view0_scores):
    # view0_scores: [N, K] raw prototype scores of the assignment view
    Q = view0_scores / EPSILON
    Q = Q - jnp.max(Q)
    Q = jnp.exp(Q).T  # [K, N]
    Q = Q / jnp.sum(Q)
    k = Q.shape[0]
    n = Q.shape[1]
    r = jnp.ones((k,), Q.dtype) / k
    c = jnp.ones((n,), Q.dtype) / n  # world_size == 1 -> N == n
    for _ in range(N_SK_ITERS):
        u = jnp.sum(Q, axis=1)
        u = r / u
        Q = Q * u[:, None]
        Q = Q * (c / jnp.sum(Q, axis=0))[None, :]
    Q = Q / jnp.sum(Q, axis=0, keepdims=True)
    return Q.T.astype(jnp.float32)  # [N, K]


def reference(projs, scores, regions_idxs):
    # scores: [view_M, img_N, R, K]; comp_coherence_loss=False and no queue,
    # so rep_scores == scores and projs/regions_idxs do not enter the loss.
    view_M = scores.shape[0]
    K = scores.shape[-1]
    view0 = scores[0].reshape(-1, K)
    assignments = jax.lax.stop_gradient(_sinkhornknopp(view0))
    loss = 0.0
    for v in range(1, view_M):
        sv = scores[v].reshape(-1, K) / TEMPERATURE
        logp = jax.nn.log_softmax(sv, axis=1)
        loss = loss - jnp.mean(jnp.sum(assignments * logp, axis=1))
    loss = loss / (view_M - 1)
    total_loss = LOSS_SWAV_W * loss  # n_term_loss == 1
    return total_loss

if __name__ == "__main__":
    import jax
    _d = setup_inputs()
    print(jax.jit(kernel)(*tuple(_d.values())))

</pallas_src>

<mosaic_0001>
module attributes {stable_mosaic.version = 14 : i64} {
  func.func @_pass1_body(%arg0: i32, %arg1: memref<448x24x128xf32, #tpu.memory_space<vmem>>, %arg2: memref<224x48x128xbf16, #tpu.memory_space<vmem>>, %arg3: memref<1x24x128xf32, #tpu.memory_space<vmem>>, %arg4: memref<24x128xf32, #tpu.memory_space<vmem>>, %arg5: memref<24x128xf32, #tpu.memory_space<vmem>>, %arg6: memref<24x128xf32, #tpu.memory_space<vmem>>, %arg7: memref<24x128xf32, #tpu.memory_space<vmem>>) attributes {dimension_semantics = [#tpu.dimension_semantics<arbitrary>], iteration_bounds = array<i64: 14>, scalar_prefetch = 0 : i64, scratch_operands = 2 : i64, tpu.core_type = #tpu.core_type<tc>, window_params = [{transform_indices = @transform_0, window_bounds = array<i64: 448, 24, 128>}, {transform_indices = @transform_1, window_bounds = array<i64: 224, 48, 128>}, {transform_indices = @transform_2, window_bounds = array<i64: 1, 24, 128>}, {pipeline_mode = #tpu.pipeline_mode<synchronous>, transform_indices = @transform_3, window_bounds = array<i64: 24, 128>}, {pipeline_mode = #tpu.pipeline_mode<synchronous>, transform_indices = @transform_4, window_bounds = array<i64: 24, 128>}]} {
    %eq3A = arith.constant 0 : i32
    %eq3A_0 = arith.cmpi eq, %arg0, %eq3A : i32
    %convert_element_type3A = arith.extui %eq3A_0 : i1 to i32
    %cond3A = arith.constant 0 : i32
    %cond3A_1 = arith.cmpi ne, %convert_element_type3A, %cond3A : i32
    scf.if %cond3A_1 {
      %broadcast_in_dim3A_40 = arith.constant 0xFF800000 : f32
      %broadcast_in_dim3A_41 = vector.broadcast %broadcast_in_dim3A_40 : f32 to vector<24x128xf32>
      %swap3A_42 = arith.constant 0 : index
      %swap3A_43 = arith.constant 0 : index
      %swap3A_44 = vector.load %arg6[%swap3A_42, %swap3A_43] : memref<24x128xf32, #tpu.memory_space<vmem>>, vector<24x128xf32>
      tpu.vector_store %arg6[%swap3A_42, %swap3A_43], %broadcast_in_dim3A_41 {strides = array<i32>} : memref<24x128xf32, #tpu.memory_space<vmem>>, vector<24x128xf32>,
      %broadcast_in_dim3A_45 = arith.constant 0.000000e+00 : f32
      %broadcast_in_dim3A_46 = vector.broadcast %broadcast_in_dim3A_45 : f32 to vector<24x128xf32>
      %swap3A_47 = arith.constant 0 : index
      %swap3A_48 = arith.constant 0 : index
      %swap3A_49 = vector.load %arg7[%swap3A_47, %swap3A_48] : memref<24x128xf32, #tpu.memory_space<vmem>>, vector<24x128xf32>
      tpu.vector_store %arg7[%swap3A_47, %swap3A_48], %broadcast_in_dim3A_46 {strides = array<i32>} : memref<24x128xf32, #tpu.memory_space<vmem>>, vector<24x128xf32>,
    } else {
    }
    %get3A = arith.constant 0 : index
    %get3A_2 = arith.constant 0 : index
    %get3A_3 = arith.constant 0 : index
    %get3A_4 = vector.load %arg1[%get3A, %get3A_2, %get3A_3] : memref<448x24x128xf32, #tpu.memory_space<vmem>>, vector<448x24x128xf32>
    %mul3A = arith.constant 2.000000e+01 : f32
    %mul3A_5 = vector.broadcast %mul3A : f32 to vector<448x24x128xf32>
    %mul3A_6 = arith.mulf %get3A_4, %mul3A_5 : vector<448x24x128xf32>
    %reduce_max3A = arith.constant dense<0xFF800000> : vector<24x128xf32>
    %reduce_max3A_7 = vector.multi_reduction <maximumf>, %mul3A_6, %reduce_max3A [0] : vector<448x24x128xf32> to vector<24x128xf32>
    %get3A_8 = arith.constant 0 : index
    %get3A_9 = arith.constant 0 : index
    %get3A_10 = vector.load %arg6[%get3A_8, %get3A_9] : memref<24x128xf32, #tpu.memory_space<vmem>>, vector<24x128xf32>
    %max3A = arith.maximumf %get3A_10, %reduce_max3A_7 : vector<24x128xf32>
    %broadcast_in_dim3A = vector.shape_cast %max3A : vector<24x128xf32> to vector<1x24x128xf32>
    %sub3A = vector.broadcast %broadcast_in_dim3A : vector<1x24x128xf32> to vector<448x24x128xf32>
    %sub3A_11 = arith.subf %mul3A_6, %sub3A : vector<448x24x128xf32>
    %exp3A = math.exp %sub3A_11 : vector<448x24x128xf32>
    %convert_element_type3A_12 = arith.truncf %exp3A : vector<448x24x128xf32> to vector<448x24x128xbf16>
    %reshape3A = vector.shape_cast %convert_element_type3A_12 : vector<448x24x128xbf16> to vector<224x48x128xbf16>
    %swap3A = arith.constant 0 : index
    %swap3A_13 = arith.constant 0 : index
    %swap3A_14 = arith.constant 0 : index
    %swap3A_15 = vector.load %arg2[%swap3A, %swap3A_13, %swap3A_14] : memref<224x48x128xbf16, #tpu.memory_space<vmem>>, vector<224x48x128xbf16>
    tpu.vector_store %arg2[%swap3A, %swap3A_13, %swap3A_14], %reshape3A {strides = array<i32>} : memref<224x48x128xbf16, #tpu.memory_space<vmem>>, vector<224x48x128xbf16>,
    %swap3A_16 = arith.constant 0 : index
    %swap3A_17 = arith.constant 0 : index
    %swap3A_18 = arith.constant 0 : index
    %swap3A_19 = vector.load %arg3[%swap3A_16, %swap3A_17, %swap3A_18] : memref<1x24x128xf32, #tpu.memory_space<vmem>>, vector<1x24x128xf32>
    %swap3A_20 = vector.shape_cast %swap3A_19 : vector<1x24x128xf32> to vector<24x128xf32>
    %swap3A_21 = vector.shape_cast %max3A : vector<24x128xf32> to vector<1x24x128xf32>
    tpu.vector_store %arg3[%swap3A_16, %swap3A_17, %swap3A_18], %swap3A_21 {strides = array<i32>} : memref<1x24x128xf32, #tpu.memory_space<vmem>>, vector<1x24x128xf32>,
    %get3A_22 = arith.constant 0 : index
    %get3A_23 = arith.constant 0 : index
    %get3A_24 = vector.load %arg7[%get3A_22, %get3A_23] : memref<24x128xf32, #tpu.memory_space<vmem>>, vector<24x128xf32>
    %sub3A_25 = arith.subf %get3A_10, %max3A : vector<24x128xf32>
    %exp3A_26 = math.exp %sub3A_25 : vector<24x128xf32>
    %mul3A_27 = arith.mulf %get3A_24, %exp3A_26 : vector<24x128xf32>
    %reduce_sum3A = arith.constant dense<0.000000e+00> : vector<24x128xf32>
    %reduce_sum3A_28 = vector.multi_reduction <add>, %exp3A, %reduce_sum3A [0] : vector<448x24x128xf32> to vector<24x128xf32>
    %add3A = arith.addf %mul3A_27, %reduce_sum3A_28 : vector<24x128xf32>
    %swap3A_29 = arith.constant 0 : index
    %swap3A_30 = arith.constant 0 : index
    %swap3A_31 = vector.load %arg7[%swap3A_29, %swap3A_30] : memref<24x128xf32, #tpu.memory_space<vmem>>, vector<24x128xf32>
    tpu.vector_store %arg7[%swap3A_29, %swap3A_30], %add3A {strides = array<i32>} : memref<24x128xf32, #tpu.memory_space<vmem>>, vector<24x128xf32>,
    %swap3A_32 = arith.constant 0 : index
    %swap3A_33 = arith.constant 0 : index
    %swap3A_34 = vector.load %arg6[%swap3A_32, %swap3A_33] : memref<24x128xf32, #tpu.memory_space<vmem>>, vector<24x128xf32>
    tpu.vector_store %arg6[%swap3A_32, %swap3A_33], %max3A {strides = array<i32>} : memref<24x128xf32, #tpu.memory_space<vmem>>, vector<24x128xf32>,
    %eq3A_35 = arith.constant 13 : i32
    %eq3A_36 = arith.cmpi eq, %arg0, %eq3A_35 : i32
    %convert_element_type3A_37 = arith.extui %eq3A_36 : i1 to i32
    %cond3A_38 = arith.constant 0 : i32
    %cond3A_39 = arith.cmpi ne, %convert_element_type3A_37, %cond3A_38 : i32
    scf.if %cond3A_39 {
      %get3A_40 = arith.constant 0 : index
      %get3A_41 = arith.constant 0 : index
      %get3A_42 = vector.load %arg6[%get3A_40, %get3A_41] : memref<24x128xf32, #tpu.memory_space<vmem>>, vector<24x128xf32>
      %swap3A_43 = arith.constant 0 : index
      %swap3A_44 = arith.constant 0 : index
      %swap3A_45 = vector.load %arg4[%swap3A_43, %swap3A_44] : memref<24x128xf32, #tpu.memory_space<vmem>>, vector<24x128xf32>
      tpu.vector_store %arg4[%swap3A_43, %swap3A_44], %get3A_42 {strides = array<i32>} : memref<24x128xf32, #tpu.memory_space<vmem>>, vector<24x128xf32>,
      %iota3A = tpu.iota {dimensions = array<i32: 0>} : vector<24x128xi32>
      %iota3A_46 = tpu.iota {dimensions = array<i32: 1>} : vector<24x128xi32>
      %mul3A_47 = arith.constant 128 : i32
      %mul3A_48 = vector.broadcast %mul3A_47 : i32 to vector<24x128xi32>
      %mul3A_49 = arith.muli %iota3A, %mul3A_48 : vector<24x128xi32>
      %add3A_50 = arith.addi %mul3A_49, %iota3A_46 : vector<24x128xi32>
      %lt3A = arith.constant 3000 : i32
      %lt3A_51 = vector.broadcast %lt3A : i32 to vector<24x128xi32>
      %lt3A_52 = arith.cmpi slt, %add3A_50, %lt3A_51 : vector<24x128xi32>
      %get3A_53 = arith.constant 0 : index
      %get3A_54 = arith.constant 0 : index
      %get3A_55 = vector.load %arg7[%get3A_53, %get3A_54] : memref<24x128xf32, #tpu.memory_space<vmem>>, vector<24x128xf32>
      %div3A = arith.constant 3.3333333E-4 : f32
      %div3A_56 = vector.broadcast %div3A : f32 to vector<24x128xf32>
      %div3A_57 = arith.divf %div3A_56, %get3A_55 : vector<24x128xf32>
      %jit3A = arith.constant 0.000000e+00 : f32
      %broadcast_in_dim3A_58 = vector.broadcast %jit3A : f32 to vector<24x128xf32>
      %select_n3A = arith.select %lt3A_52, %div3A_57, %broadcast_in_dim3A_58 : vector<24x128xi1>, vector<24x128xf32>
      %swap3A_59 = arith.constant 0 : index
      %swap3A_60 = arith.constant 0 : index
      %swap3A_61 = vector.load %arg5[%swap3A_59, %swap3A_60] : memref<24x128xf32, #tpu.memory_space<vmem>>, vector<24x128xf32>
      tpu.vector_store %arg5[%swap3A_59, %swap3A_60], %select_n3A {strides = array<i32>} : memref<24x128xf32, #tpu.memory_space<vmem>>, vector<24x128xf32>,
    } else {
    }
    return
  }
  func.func @transform_0(%arg0: i32) -> (i32, i32, i32) {
    %c0_i32 = arith.constant 0 : i32
    %c0_i32_0 = arith.constant 0 : i32
    %c0_i32_1 = arith.constant 0 : i32
    return %arg0, %c0_i32, %c0_i32_0 : i32, i32, i32
  }
  func.func @transform_1(%arg0: i32) -> (i32, i32, i32) {
    %c0_i32 = arith.constant 0 : i32
    %c0_i32_0 = arith.constant 0 : i32
    %c0_i32_1 = arith.constant 0 : i32
    return %arg0, %c0_i32, %c0_i32_0 : i32, i32, i32
  }
  func.func @transform_2(%arg0: i32) -> (i32, i32, i32) {
    %c0_i32 = arith.constant 0 : i32
    %c0_i32_0 = arith.constant 0 : i32
    %c0_i32_1 = arith.constant 0 : i32
    return %arg0, %c0_i32, %c0_i32_0 : i32, i32, i32
  }
  func.func @transform_3(%arg0: i32) -> (i32, i32) {
    %c0_i32 = arith.constant 0 : i32
    %c0_i32_0 = arith.constant 0 : i32
    %c0_i32_1 = arith.constant 0 : i32
    return %c0_i32, %c0_i32_0 : i32, i32
  }
  func.func @transform_4(%arg0: i32) -> (i32, i32) {
    %c0_i32 = arith.constant 0 : i32
    %c0_i32_0 = arith.constant 0 : i32
    %c0_i32_1 = arith.constant 0 : i32
    return %c0_i32, %c0_i32_0 : i32, i32
  }
}

module attributes {stable_mosaic.version = 14 : i64} {
  func.func @_loss_body(%arg0: i32, %arg1: memref<224x48x128xbf16, #tpu.memory_space<vmem>>, %arg2: memref<448x24x128xf32, #tpu.memory_space<vmem>>, %arg3: memref<1x24x128xf32, #tpu.memory_space<vmem>>, %arg4: memref<24x128xf32, #tpu.memory_space<vmem>>, %arg5: memref<24x128xf32, #tpu.memory_space<vmem>>, %arg6: memref<1x1xf32, #tpu.memory_space<smem>>) attributes {dimension_semantics = [#tpu.dimension_semantics<arbitrary>], iteration_bounds = array<i64: 14>, scalar_prefetch = 0 : i64, scratch_operands = 0 : i64, tpu.core_type = #tpu.core_type<tc>, window_params = [{transform_indices = @transform_0, window_bounds = array<i64: 224, 48, 128>}, {transform_indices = @transform_1, window_bounds = array<i64: 448, 24, 128>}, {transform_indices = @transform_2, window_bounds = array<i64: 1, 24, 128>}, {pipeline_mode = #tpu.pipeline_mode<synchronous>, transform_indices = @transform_3, window_bounds = array<i64: 24, 128>}, {pipeline_mode = #tpu.pipeline_mode<synchronous>, transform_indices = @transform_4, window_bounds = array<i64: 24, 128>}, {transform_indices = @transform_5, window_bounds = array<i64: 1, 1>}]} {
    %eq3A = arith.constant 0 : i32
    %eq3A_0 = arith.cmpi eq, %arg0, %eq3A : i32
    %convert_element_type3A = arith.extui %eq3A_0 : i1 to i32
    %cond3A = arith.constant 0 : i32
    %cond3A_1 = arith.cmpi ne, %convert_element_type3A, %cond3A : i32
    scf.if %cond3A_1 {
      %swap3A_49 = arith.constant 0.000000e+00 : f32
      %swap3A_50 = arith.constant 0 : index
      %swap3A_51 = arith.constant 0 : index
      %swap3A_52 = memref.load %arg6[%swap3A_50, %swap3A_51] : memref<1x1xf32, #tpu.memory_space<smem>>
      memref.store %swap3A_49, %arg6[%swap3A_50, %swap3A_51] : memref<1x1xf32, #tpu.memory_space<smem>>
    } else {
    }
    %get3A = arith.constant 0 : index
    %get3A_2 = arith.constant 0 : index
    %get3A_3 = arith.constant 0 : index
    %get3A_4 = vector.load %arg3[%get3A, %get3A_2, %get3A_3] : memref<1x24x128xf32, #tpu.memory_space<vmem>>, vector<1x24x128xf32>
    %get3A_5 = vector.shape_cast %get3A_4 : vector<1x24x128xf32> to vector<24x128xf32>
    %get3A_6 = arith.constant 0 : index
    %get3A_7 = arith.constant 0 : index
    %get3A_8 = vector.load %arg4[%get3A_6, %get3A_7] : memref<24x128xf32, #tpu.memory_space<vmem>>, vector<24x128xf32>
    %sub3A = arith.subf %get3A_5, %get3A_8 : vector<24x128xf32>
    %exp3A = math.exp %sub3A : vector<24x128xf32>
    %get3A_9 = arith.constant 0 : index
    %get3A_10 = arith.constant 0 : index
    %get3A_11 = arith.constant 0 : index
    %get3A_12 = vector.load %arg1[%get3A_9, %get3A_10, %get3A_11] : memref<224x48x128xbf16, #tpu.memory_space<vmem>>, vector<224x48x128xbf16>
    %convert_element_type3A_13 = arith.extf %get3A_12 : vector<224x48x128xbf16> to vector<224x48x128xf32>
    %reshape3A = vector.shape_cast %convert_element_type3A_13 : vector<224x48x128xf32> to vector<448x24x128xf32>
    %get3A_14 = arith.constant 0 : index
    %get3A_15 = arith.constant 0 : index
    %get3A_16 = vector.load %arg5[%get3A_14, %get3A_15] : memref<24x128xf32, #tpu.memory_space<vmem>>, vector<24x128xf32>
    %mul3A = arith.mulf %exp3A, %get3A_16 : vector<24x128xf32>
    %broadcast_in_dim3A = vector.shape_cast %mul3A : vector<24x128xf32> to vector<1x24x128xf32>
    %mul3A_17 = vector.broadcast %broadcast_in_dim3A : vector<1x24x128xf32> to vector<448x24x128xf32>
    %mul3A_18 = arith.mulf %reshape3A, %mul3A_17 : vector<448x24x128xf32>
    %reduce_sum3A = arith.constant dense<0.000000e+00> : vector<448xf32>
    %reduce_sum3A_19 = vector.multi_reduction <add>, %mul3A_18, %reduce_sum3A [1, 2] : vector<448x24x128xf32> to vector<448xf32>
    %get3A_20 = arith.constant 0 : index
    %get3A_21 = arith.constant 0 : index
    %get3A_22 = arith.constant 0 : index
    %get3A_23 = vector.load %arg2[%get3A_20, %get3A_21, %get3A_22] : memref<448x24x128xf32, #tpu.memory_space<vmem>>, vector<448x24x128xf32>
    %mul3A_24 = arith.constant 1.000000e+01 : f32
    %mul3A_25 = vector.broadcast %mul3A_24 : f32 to vector<448x24x128xf32>
    %mul3A_26 = arith.mulf %get3A_23, %mul3A_25 : vector<448x24x128xf32>
    %mul3A_27 = arith.mulf %mul3A_18, %mul3A_26 : vector<448x24x128xf32>
    %reduce_sum3A_28 = arith.constant dense<0.000000e+00> : vector<448xf32>
    %reduce_sum3A_29 = vector.multi_reduction <add>, %mul3A_27, %reduce_sum3A_28 [1, 2] : vector<448x24x128xf32> to vector<448xf32>
    %reduce_max3A = arith.constant dense<0xFF800000> : vector<448xf32>
    %reduce_max3A_30 = vector.multi_reduction <maximumf>, %mul3A_26, %reduce_max3A [1, 2] : vector<448x24x128xf32> to vector<448xf32>
    %broadcast_in_dim3A_31 = vector.shape_cast %reduce_max3A_30 : vector<448xf32> to vector<448x1x1xf32>
    %sub3A_32 = vector.broadcast %broadcast_in_dim3A_31 : vector<448x1x1xf32> to vector<448x24x128xf32>
    %sub3A_33 = arith.subf %mul3A_26, %sub3A_32 : vector<448x24x128xf32>
    %exp3A_34 = math.exp %sub3A_33 : vector<448x24x128xf32>
    %reduce_sum3A_35 = arith.constant dense<0.000000e+00> : vector<448xf32>
    %reduce_sum3A_36 = vector.multi_reduction <add>, %exp3A_34, %reduce_sum3A_35 [1, 2] : vector<448x24x128xf32> to vector<448xf32>
    %log3A = math.log %reduce_sum3A_36 : vector<448xf32>
    %add3A = arith.addf %reduce_max3A_30, %log3A : vector<448xf32>
    %get3A_37 = arith.constant 0 : index
    %get3A_38 = arith.constant 0 : index
    %get3A_39 = memref.load %arg6[%get3A_37, %get3A_38] : memref<1x1xf32, #tpu.memory_space<smem>>
    %div3A = arith.divf %reduce_sum3A_29, %reduce_sum3A_19 : vector<448xf32>
    %sub3A_40 = arith.subf %div3A, %add3A : vector<448xf32>
    %reduce_sum3A_41 = vector.shape_cast %sub3A_40 : vector<448xf32> to vector<1x448xf32>
    %reduce_sum3A_42 = arith.constant dense<0.000000e+00> : vector<1xf32>
    %reduce_sum3A_43 = vector.multi_reduction <add>, %reduce_sum3A_41, %reduce_sum3A_42 [1] : vector<1x448xf32> to vector<1xf32>
    %reduce_sum3A_44 = vector.shape_cast %reduce_sum3A_43 : vector<1xf32> to vector<1x1xf32>
    %reduce_sum3A_45 = vector.extract %reduce_sum3A_44[0, 0] : f32 from vector<1x1xf32>
    %add3A_46 = arith.addf %get3A_39, %reduce_sum3A_45 : f32
    %swap3A = arith.constant 0 : index
    %swap3A_47 = arith.constant 0 : index
    %swap3A_48 = memref.load %arg6[%swap3A, %swap3A_47] : memref<1x1xf32, #tpu.memory_space<smem>>
    memref.store %add3A_46, %arg6[%swap3A, %swap3A_47] : memref<1x1xf32, #tpu.memory_space<smem>>
    return
  }
  func.func @transform_0(%arg0: i32) -> (i32, i32, i32) {
    %c0_i32 = arith.constant 0 : i32
    %c0_i32_0 = arith.constant 0 : i32
    %c0_i32_1 = arith.constant 0 : i32
    return %arg0, %c0_i32, %c0_i32_0 : i32, i32, i32
  }
  func.func @transform_1(%arg0: i32) -> (i32, i32, i32) {
    %add3A = arith.constant 14 : i32
    %add3A_0 = arith.addi %arg0, %add3A : i32
    %c0_i32 = arith.constant 0 : i32
    %c0_i32_1 = arith.constant 0 : i32
    %c0_i32_2 = arith.constant 0 : i32
    return %add3A_0, %c0_i32, %c0_i32_1 : i32, i32, i32
  }
  func.func @transform_2(%arg0: i32) -> (i32, i32, i32) {
    %c0_i32 = arith.constant 0 : i32
    %c0_i32_0 = arith.constant 0 : i32
    %c0_i32_1 = arith.constant 0 : i32
    return %arg0, %c0_i32, %c0_i32_0 : i32, i32, i32
  }
  func.func @transform_3(%arg0: i32) -> (i32, i32) {
    %c0_i32 = arith.constant 0 : i32
    %c0_i32_0 = arith.constant 0 : i32
    %c0_i32_1 = arith.constant 0 : i32
    return %c0_i32, %c0_i32_0 : i32, i32
  }
  func.func @transform_4(%arg0: i32) -> (i32, i32) {
    %c0_i32 = arith.constant 0 : i32
    %c0_i32_0 = arith.constant 0 : i32
    %c0_i32_1 = arith.constant 0 : i32
    return %c0_i32, %c0_i32_0 : i32, i32
  }
  func.func @transform_5(%arg0: i32) -> (i32, i32) {
    %c0_i32 = arith.constant 0 : i32
    %c0_i32_0 = arith.constant 0 : i32
    %c0_i32_1 = arith.constant 0 : i32
    return %c0_i32, %c0_i32_0 : i32, i32
  }
}

module attributes {stable_mosaic.version = 14 : i64} {
  func.func @_qp_body(%arg0: i32, %arg1: memref<224x48x128xbf16, #tpu.memory_space<vmem>>, %arg2: memref<1x24x128xf32, #tpu.memory_space<vmem>>, %arg3: memref<24x128xf32, #tpu.memory_space<vmem>>, %arg4: memref<24x128xf32, #tpu.memory_space<vmem>>, %arg5: memref<24x128xf32, #tpu.memory_space<vmem>>, %arg6: memref<24x128xf32, #tpu.memory_space<vmem>>, %arg7: memref<24x128xf32, #tpu.memory_space<vmem>>) attributes {dimension_semantics = [#tpu.dimension_semantics<arbitrary>], iteration_bounds = array<i64: 28>, scalar_prefetch = 0 : i64, scratch_operands = 2 : i64, tpu.core_type = #tpu.core_type<tc>, window_params = [{transform_indices = @transform_0, window_bounds = array<i64: 224, 48, 128>}, {transform_indices = @transform_1, window_bounds = array<i64: 1, 24, 128>}, {pipeline_mode = #tpu.pipeline_mode<synchronous>, transform_indices = @transform_2, window_bounds = array<i64: 24, 128>}, {pipeline_mode = #tpu.pipeline_mode<synchronous>, transform_indices = @transform_3, window_bounds = array<i64: 24, 128>}, {pipeline_mode = #tpu.pipeline_mode<synchronous>, transform_indices = @transform_4, window_bounds = array<i64: 24, 128>}]} {
    %jit3A = arith.constant 14 : i32
    %eq3A = arith.constant 0 : i32
    %eq3A_0 = arith.cmpi eq, %jit3A, %eq3A : i32
    %jit3A_1 = arith.constant 1 : i32
    %select_n3A = arith.select %eq3A_0, %jit3A_1, %jit3A : i32
    %rem3A = arith.remsi %arg0, %select_n3A : i32
    %ne3A = arith.constant 0 : i32
    %ne3A_2 = arith.cmpi ne, %rem3A, %ne3A : i32
    %lt3A = arith.constant 0 : i32
    %lt3A_3 = arith.cmpi slt, %rem3A, %lt3A : i32
    %lt3A_4 = arith.constant 0 : i32
    %lt3A_5 = arith.cmpi slt, %select_n3A, %lt3A_4 : i32
    %ne3A_6 = arith.xori %lt3A_3, %lt3A_5 : i1
    %and3A = arith.andi %ne3A_6, %ne3A_2 : i1
    %add3A = arith.addi %rem3A, %select_n3A : i32
    %select_n3A_7 = arith.select %and3A, %add3A, %rem3A : i32
    %eq3A_8 = arith.constant 0 : i32
    %eq3A_9 = arith.cmpi eq, %arg0, %eq3A_8 : i32
    %convert_element_type3A = arith.extui %eq3A_9 : i1 to i32
    %cond3A = arith.constant 0 : i32
    %cond3A_10 = arith.cmpi ne, %convert_element_type3A, %cond3A : i32
    scf.if %cond3A_10 {
      %get3A_53 = arith.constant 0 : index
      %get3A_54 = arith.constant 0 : index
      %get3A_55 = vector.load %arg4[%get3A_53, %get3A_54] : memref<24x128xf32, #tpu.memory_space<vmem>>, vector<24x128xf32>
      %swap3A_56 = arith.constant 0 : index
      %swap3A_57 = arith.constant 0 : index
      %swap3A_58 = vector.load %arg7[%swap3A_56, %swap3A_57] : memref<24x128xf32, #tpu.memory_space<vmem>>, vector<24x128xf32>
      tpu.vector_store %arg7[%swap3A_56, %swap3A_57], %get3A_55 {strides = array<i32>} : memref<24x128xf32, #tpu.memory_space<vmem>>, vector<24x128xf32>,
    } else {
    }
    %eq3A_11 = arith.constant 0 : i32
    %eq3A_12 = arith.cmpi eq, %select_n3A_7, %eq3A_11 : i32
    %convert_element_type3A_13 = arith.extui %eq3A_12 : i1 to i32
    %cond3A_14 = arith.constant 0 : i32
    %cond3A_15 = arith.cmpi ne, %convert_element_type3A_13, %cond3A_14 : i32
    scf.if %cond3A_15 {
      %broadcast_in_dim3A_53 = arith.constant 0.000000e+00 : f32
      %broadcast_in_dim3A_54 = vector.broadcast %broadcast_in_dim3A_53 : f32 to vector<24x128xf32>
      %swap3A_55 = arith.constant 0 : index
      %swap3A_56 = arith.constant 0 : index
      %swap3A_57 = vector.load %arg6[%swap3A_55, %swap3A_56] : memref<24x128xf32, #tpu.memory_space<vmem>>, vector<24x128xf32>
      tpu.vector_store %arg6[%swap3A_55, %swap3A_56], %broadcast_in_dim3A_54 {strides = array<i32>} : memref<24x128xf32, #tpu.memory_space<vmem>>, vector<24x128xf32>,
    } else {
    }
    %get3A = arith.constant 0 : index
    %get3A_16 = arith.constant 0 : index
    %get3A_17 = arith.constant 0 : index
    %get3A_18 = vector.load %arg2[%get3A, %get3A_16, %get3A_17] : memref<1x24x128xf32, #tpu.memory_space<vmem>>, vector<1x24x128xf32>
    %get3A_19 = vector.shape_cast %get3A_18 : vector<1x24x128xf32> to vector<24x128xf32>
    %get3A_20 = arith.constant 0 : index
    %get3A_21 = arith.constant 0 : index
    %get3A_22 = vector.load %arg3[%get3A_20, %get3A_21] : memref<24x128xf32, #tpu.memory_space<vmem>>, vector<24x128xf32>
    %sub3A = arith.subf %get3A_19, %get3A_22 : vector<24x128xf32>
    %exp3A = math.exp %sub3A : vector<24x128xf32>
    %get3A_23 = arith.constant 0 : index
    %get3A_24 = arith.constant 0 : index
    %get3A_25 = arith.constant 0 : index
    %get3A_26 = vector.load %arg1[%get3A_23, %get3A_24, %get3A_25] : memref<224x48x128xbf16, #tpu.memory_space<vmem>>, vector<224x48x128xbf16>
    %convert_element_type3A_27 = arith.extf %get3A_26 : vector<224x48x128xbf16> to vector<224x48x128xf32>
    %reshape3A = vector.shape_cast %convert_element_type3A_27 : vector<224x48x128xf32> to vector<448x24x128xf32>
    %get3A_28 = arith.constant 0 : index
    %get3A_29 = arith.constant 0 : index
    %get3A_30 = vector.load %arg7[%get3A_28, %get3A_29] : memref<24x128xf32, #tpu.memory_space<vmem>>, vector<24x128xf32>
    %mul3A = arith.mulf %exp3A, %get3A_30 : vector<24x128xf32>
    %broadcast_in_dim3A = vector.shape_cast %mul3A : vector<24x128xf32> to vector<1x24x128xf32>
    %mul3A_31 = vector.broadcast %broadcast_in_dim3A : vector<1x24x128xf32> to vector<448x24x128xf32>
    %mul3A_32 = arith.mulf %reshape3A, %mul3A_31 : vector<448x24x128xf32>
    %reduce_sum3A = arith.constant dense<0.000000e+00> : vector<448xf32>
    %reduce_sum3A_33 = vector.multi_reduction <add>, %mul3A_32, %reduce_sum3A [1, 2] : vector<448x24x128xf32> to vector<448xf32>
    %div3A = arith.constant 1.59438772E-4 : f32
    %div3A_34 = vector.broadcast %div3A : f32 to vector<448xf32>
    %div3A_35 = arith.divf %div3A_34, %reduce_sum3A_33 : vector<448xf32>
    %get3A_36 = arith.constant 0 : index
    %get3A_37 = arith.constant 0 : index
    %get3A_38 = vector.load %arg6[%get3A_36, %get3A_37] : memref<24x128xf32, #tpu.memory_space<vmem>>, vector<24x128xf32>
    %broadcast_in_dim3A_39 = vector.shape_cast %div3A_35 : vector<448xf32> to vector<448x1x1xf32>
    %mul3A_40 = vector.broadcast %broadcast_in_dim3A_39 : vector<448x1x1xf32> to vector<448x24x128xf32>
    %mul3A_41 = arith.mulf %reshape3A, %mul3A_40 : vector<448x24x128xf32>
    %reduce_sum3A_42 = arith.constant dense<0.000000e+00> : vector<24x128xf32>
    %reduce_sum3A_43 = vector.multi_reduction <add>, %mul3A_41, %reduce_sum3A_42 [0] : vector<448x24x128xf32> to vector<24x128xf32>
    %mul3A_44 = arith.mulf %reduce_sum3A_43, %exp3A : vector<24x128xf32>
    %add3A_45 = arith.addf %get3A_38, %mul3A_44 : vector<24x128xf32>
    %swap3A = arith.constant 0 : index
    %swap3A_46 = arith.constant 0 : index
    %swap3A_47 = vector.load %arg6[%swap3A, %swap3A_46] : memref<24x128xf32, #tpu.memory_space<vmem>>, vector<24x128xf32>
    tpu.vector_store %arg6[%swap3A, %swap3A_46], %add3A_45 {strides = array<i32>} : memref<24x128xf32, #tpu.memory_space<vmem>>, vector<24x128xf32>,
    %eq3A_48 = arith.constant 13 : i32
    %eq3A_49 = arith.cmpi eq, %select_n3A_7, %eq3A_48 : i32
    %convert_element_type3A_50 = arith.extui %eq3A_49 : i1 to i32
    %cond3A_51 = arith.constant 0 : i32
    %cond3A_52 = arith.cmpi ne, %convert_element_type3A_50, %cond3A_51 : i32
    scf.if %cond3A_52 {
      %iota3A = tpu.iota {dimensions = array<i32: 0>} : vector<24x128xi32>
      %iota3A_53 = tpu.iota {dimensions = array<i32: 1>} : vector<24x128xi32>
      %mul3A_54 = arith.constant 128 : i32
      %mul3A_55 = vector.broadcast %mul3A_54 : i32 to vector<24x128xi32>
      %mul3A_56 = arith.muli %iota3A, %mul3A_55 : vector<24x128xi32>
      %add3A_57 = arith.addi %mul3A_56, %iota3A_53 : vector<24x128xi32>
      %lt3A_58 = arith.constant 3000 : i32
      %lt3A_59 = vector.broadcast %lt3A_58 : i32 to vector<24x128xi32>
      %lt3A_60 = arith.cmpi slt, %add3A_57, %lt3A_59 : vector<24x128xi32>
      %get3A_61 = arith.constant 0 : index
      %get3A_62 = arith.constant 0 : index
      %get3A_63 = vector.load %arg6[%get3A_61, %get3A_62] : memref<24x128xf32, #tpu.memory_space<vmem>>, vector<24x128xf32>
      %div3A_64 = arith.constant 3.3333333E-4 : f32
      %div3A_65 = vector.broadcast %div3A_64 : f32 to vector<24x128xf32>
      %div3A_66 = arith.divf %div3A_65, %get3A_63 : vector<24x128xf32>
      %jit3A_67 = arith.constant 0.000000e+00 : f32
      %broadcast_in_dim3A_68 = vector.broadcast %jit3A_67 : f32 to vector<24x128xf32>
      %select_n3A_69 = arith.select %lt3A_60, %div3A_66, %broadcast_in_dim3A_68 : vector<24x128xi1>, vector<24x128xf32>
      %swap3A_70 = arith.constant 0 : index
      %swap3A_71 = arith.constant 0 : index
      %swap3A_72 = vector.load %arg7[%swap3A_70, %swap3A_71] : memref<24x128xf32, #tpu.memory_space<vmem>>, vector<24x128xf32>
      tpu.vector_store %arg7[%swap3A_70, %swap3A_71], %select_n3A_69 {strides = array<i32>} : memref<24x128xf32, #tpu.memory_space<vmem>>, vector<24x128xf32>,
      %swap3A_73 = arith.constant 0 : index
      %swap3A_74 = arith.constant 0 : index
      %swap3A_75 = vector.load %arg5[%swap3A_73, %swap3A_74] : memref<24x128xf32, #tpu.memory_space<vmem>>, vector<24x128xf32>
      tpu.vector_store %arg5[%swap3A_73, %swap3A_74], %select_n3A_69 {strides = array<i32>} : memref<24x128xf32, #tpu.memory_space<vmem>>, vector<24x128xf32>,
    } else {
    }
    return
  }
  func.func @transform_0(%arg0: i32) -> (i32, i32, i32) {
    %jit3A = arith.constant 14 : i32
    %eq3A = arith.constant 0 : i32
    %eq3A_0 = arith.cmpi eq, %jit3A, %eq3A : i32
    %jit3A_1 = arith.constant 1 : i32
    %select_n3A = arith.select %eq3A_0, %jit3A_1, %jit3A : i32
    %rem3A = arith.remsi %arg0, %select_n3A : i32
    %ne3A = arith.constant 0 : i32
    %ne3A_2 = arith.cmpi ne, %rem3A, %ne3A : i32
    %lt3A = arith.constant 0 : i32
    %lt3A_3 = arith.cmpi slt, %rem3A, %lt3A : i32
    %lt3A_4 = arith.constant 0 : i32
    %lt3A_5 = arith.cmpi slt, %select_n3A, %lt3A_4 : i32
    %ne3A_6 = arith.xori %lt3A_3, %lt3A_5 : i1
    %and3A = arith.andi %ne3A_6, %ne3A_2 : i1
    %add3A = arith.addi %rem3A, %select_n3A : i32
    %select_n3A_7 = arith.select %and3A, %add3A, %rem3A : i32
    %c0_i32 = arith.constant 0 : i32
    %c0_i32_8 = arith.constant 0 : i32
    %c0_i32_9 = arith.constant 0 : i32
    return %select_n3A_7, %c0_i32, %c0_i32_8 : i32, i32, i32
  }
  func.func @transform_1(%arg0: i32) -> (i32, i32, i32) {
    %jit3A = arith.constant 14 : i32
    %eq3A = arith.constant 0 : i32
    %eq3A_0 = arith.cmpi eq, %jit3A, %eq3A : i32
    %jit3A_1 = arith.constant 1 : i32
    %select_n3A = arith.select %eq3A_0, %jit3A_1, %jit3A : i32
    %rem3A = arith.remsi %arg0, %select_n3A : i32
    %ne3A = arith.constant 0 : i32
    %ne3A_2 = arith.cmpi ne, %rem3A, %ne3A : i32
    %lt3A = arith.constant 0 : i32
    %lt3A_3 = arith.cmpi slt, %rem3A, %lt3A : i32
    %lt3A_4 = arith.constant 0 : i32
    %lt3A_5 = arith.cmpi slt, %select_n3A, %lt3A_4 : i32
    %ne3A_6 = arith.xori %lt3A_3, %lt3A_5 : i1
    %and3A = arith.andi %ne3A_6, %ne3A_2 : i1
    %add3A = arith.addi %rem3A, %select_n3A : i32
    %select_n3A_7 = arith.select %and3A, %add3A, %rem3A : i32
    %c0_i32 = arith.constant 0 : i32
    %c0_i32_8 = arith.constant 0 : i32
    %c0_i32_9 = arith.constant 0 : i32
    return %select_n3A_7, %c0_i32, %c0_i32_8 : i32, i32, i32
  }
  func.func @transform_2(%arg0: i32) -> (i32, i32) {
    %c0_i32 = arith.constant 0 : i32
    %c0_i32_0 = arith.constant 0 : i32
    %c0_i32_1 = arith.constant 0 : i32
    return %c0_i32, %c0_i32_0 : i32, i32
  }
  func.func @transform_3(%arg0: i32) -> (i32, i32) {
    %c0_i32 = arith.constant 0 : i32
    %c0_i32_0 = arith.constant 0 : i32
    %c0_i32_1 = arith.constant 0 : i32
    return %c0_i32, %c0_i32_0 : i32, i32
  }
  func.func @transform_4(%arg0: i32) -> (i32, i32) {
    %c0_i32 = arith.constant 0 : i32
    %c0_i32_0 = arith.constant 0 : i32
    %c0_i32_1 = arith.constant 0 : i32
    return %c0_i32, %c0_i32_0 : i32, i32
  }
}

</mosaic_0001>

<sc_bundles>
// kernel: sparse-core-data-format-call.1.cloned.1.call-start
scs
called_computation.1_lowered:
.L_overlay_start_0:
0x0: {  	s1 =	sld [smem:$0x3FD9]  }
0x1: {  	s2 =	sld [smem:$0x3FFE];
	_ =	sdelay $0x1  }
0x2: {  	s3 =	srdreg.scid  }
0x3: {  	s0 =	sand.u32 $0x1, s3  }
0x4: {  	s17 =	sshll.u32 s0, $0xA;
	s1 =	sadd.s32 s2, s1  }
0x5: {  	s1 =	sadd.s32 s1, s17  }
0x6: {  	[smem:$0x3FC7] =	sst s1  }
0x7: {  	_ = 	snop  }
0x8: {  	(tm) =	ssettm $0x1  }
0x9: {  	s18 =	sld [smem:$0x3FFB];
	_ =	sdelay $0x3  }
0xa: {  	_ =	strace s18  }
0xb: {  	s1 =	sld [smem:$0x3FFC];
	_ =	sdelay $0x3  }
0xc: {  	_ =	strace s1  }
0xd: {  	s1 =	sld [smem:$0x3FFD];
	_ =	sdelay $0x3  }
0xe: {  	_ =	strace s1  }
0xf: {  	_ =	strace $0x8FFFFFFF  }
0x10: {  	s19 =	sld [smem:$0x3FDB];
	_ =	sdelay $0x1  }
0x11: {  	s20 =	simm.s32 $_scs_section_size  }
0x12: {  	s4 =	simm.s32 $_size__tile_overlayer_lowered;
	s5 =	simm.s32 $_tile_overlayer_lowered  }
0x13: {  	s23 =	simm.s32 $0x1BFF;
	s22 =	sshll.u32 s5, $0x1;
	s1 =	sadd.s32 s20, s19  }
0x14: {  	s6 =	simm.s32 $0x0;
	s21 =	sshll.u32 s4, $0x1;
	s4 =	sadd.s32 s22, s1  }
0x15: {  	[timem:s6], [sflag:s23] =	dma.local [hbm:s4], s21  }
0x16: {  	_ =	swait.ge [sflag:s23], s21  }
0x17: {  	s2 =	ssub.s32 $0x0, s21;
	[sflag:s23] =	ssyncset.done $0x0  }
0x18: {  	[sflag:s23] =	ssyncadd.s32 s2;
	_ =	sdelay $0x1  }
0x19: {  	s24 =	simm.s32 $0x1B8B  }
0x1a: {  	_ =	swait.ge [sflag:s24], $0x1  }
0x1b: {  	[sflag:s24] =	ssyncset.done $0x0  }
0x1c: {  	s26 =	simm.s32 $0x1B8E;
	s25 =	sld [smem:$0x3FFE];
	[sflag:s24] =	ssyncadd.s32 $0xFFFFFFFF  }
0x1d: {  	s27 =	simm.s32 $execute0_lowered;
	[smem:$0x3FD2] =	sst s26  }
0x1e: {  	s4 =	sshll.u32 s27, $0x1;
	_ =	strace $0x80000046;
	[dreg:$0x1] =	wrdreg $0xFFFFFFFF  }
0x1f: {  	s28 =	simm.s32 $_size_execute0_lowered;
	s1 =	sadd.s32 s1, s4;
	[dreg:$0x0] =	wrdreg $0x0  }
0x20: {  	s4 =	sshll.u32 s28, $0x1;
	[dreg:$0x2] =	wrdreg s1  }
0x21: {  	[dreg:$0x3] =	wrdreg s4  }
0x22: {  	[dreg:$0x4] =	wrdreg $0xC0  }
0x23: {  	_ =	task [dreg:s6], $0x5FFFF  }
0x24: {  	[dreg:$0x1] =	wrdreg $0xFFFFFFFF  }
0x25: {  	[dreg:$0x0] =	wrdreg $0x60  }
0x26: {  	[dreg:$0x2] =	wrdreg s25  }
0x27: {  	[dreg:$0x3] =	wrdreg $0x9  }
0x28: {  	_ =	task.clear_ibuf [dreg:s6], $0x4FFFF;
	_ =	strace $0x90000046  }
0x29: {  	s29 =	simm.s32 $0x9;
	_ =	strace $0x80000048  }
0x2a: {  	_ =	swait.ge [sflag:s29], $0x1  }
0x2b: {  	[sflag:s29] =	ssyncadd.s32 $0xFFFFFFFF  }
0x2c: {  	_ =	strace $0x90000048  }
0x2d: {  	_ =	sfence  }
0x2e: {  	s30 =	sld [smem:$0x0];
	_ =	sdelay $0x2  }
0x2f: {  	s31 =	sshll.u32 s3, $0xD;
	s3 =	sshrl.u32 s3, $0x2  }
0x30: {  	s2 =	sand.u32 $0x4000, s31;
	s1 =	sadd.s32 s3, s30  }
0x31: {  	s0 =	sor.u32 s2, s0;
	s1 =	sshll.u32 s1, $0x11  }
0x32: {  	s0 =	sor.u32 s1, s0  }
0x33: {  	s0 =	sadd.s32 $0x8F2B, s0  }
0x34: {  	[sflag:s0] =	ssyncadd.remote.s32 $0x1  }
0x35: {  	_ =	sfence.sel $0xFFFF  }
0x36: {  	[dreg:$0x0] =	wrdreg $0xFFFFFFFF;
	(pc) =	sbr.abs _section_cstart, $3  }
0x37: {  	[dreg:$0x1] =	wrdreg $0xFFFFFFFF  }
0x38: {  	_ =	task.clear_ibuf [dreg:s6], $0x2FFFF;
	_ =	strace $0x9FFFFFFF  }
0x39: {  	(tm) =	ssettm $0x7FFFFFFF  }
tec
execute0_lowered:
.L_overlay_start_1:
0x0: {  	(tag) =	ssettag $0x1  }
0x1: {  	s0 =	srdreg.scid  }
0x2: {  	s1 =	sshll.u32 s0, $0x4  }
0x3: {  	s0 =	stileid.u32;
	s1 =	sand.u32 $0x10, s1  }
0x4: {  	s6 =	rddreg [dreg:$0x0];
	s1 =	sor.u32 s0, s1  }
0x5: {  	s4 =	simm.s32 $0x1;
	s7 =	simm.s32 $0x2;
	s2 =	sshll.u32 s1, $0x1  }
0x6: {  	s14 =	simm.s32 $0x0;
	s8 =	simm.s32 $0x400;
	s3 =	ssub.s32 $0x620, s2  }
0x7: {  	s9 =	simm.s32 $0xC00;
	s10 =	simm.s32 $0x0;
	s31 =	sand.u32 $0x3E, s3  }
0x8: {  	s15 =	simm.s32 $0x0;
	s11 =	simm.s32 $0x0;
	p0 =	sne.s32 s31, $0x0  }
.Ltmp0:
0x9: {  	s3 =	sshrl.u32 s3, $0x6;
	s4 =	simm.s32 @!p0 $0x0;
	(pc) =	sbr.rel .LBB1_1-.Ltmp0, $4  }
0xa: {  	s13 =	simm.s32 $0x0;
	s1 =	rddreg [dreg:$0x1];
	s5 =	sadd.s32 s4, s3  }
0xb: {  	_ =	strace $0x80000047;
	s4 =	simm.s32 $0x1;
	s5 =	smul.u32 $0x3, s5  }
0xc: {  	s12 =	smov.u32 s2;
	s3 =	sadd.s32 $0xA00, s6;
	[sflag:s4] =	ssyncpa.u1 $0x0  }
0xd: {  	s6 =	sadd.s32 $0x498A00, s6;
	[sflag:s7] =	ssyncpa.u1 $0x0;
	s7 =	sadd.s32 $0x1, s5  }
.LBB1_9:
0xe: {  	s16 =	sadd.s32 $0x8, s11  }
0xf: {  	s14 =	sadd.s32 $0x40, s12;
	s18 =	smov.u32 s12;
	p1 =	sgt.s32 s16, $0x17  }
0x10: {  	s18 =	smov.u32 @p1 s14  }
0x11: {  	s16 =	simm.s32 @p1 $0x0;
	p1 =	sgt.s32 s18, $0x61F  }
0x12: {  	s18 =	smov.u32 @p1 s2;
	p1 =	sne.s32 s13, s7  }
.Ltmp1:
0x13: {  	p0 =	slt.u32 s13, $0x2;
	(pc) =	sbr.rel @!p1 .LBB1_10-.Ltmp1, $4  }
0x14: {  	s17 =	simm.s32 @!p0 $0x2  }
0x15: {  	s15 =	smov.u32 s12;
	s10 =	sadd.s32 $0x4000, s10;
	_ =	swait.ge @!p0 [sflag:s17], $0x4000  }
0x16: {  	s14 =	smov.u32 s11;
	[sflag:s17] =	ssyncset.done @!p0 $0x0;
	s11 =	smov.u32 s16  }
0x17: {  	s13 =	sadd.s32 $0x1, s13;
	[sflag:s17] =	ssyncadd.s32 @!p0 $0xFFFFC000;
	s12 =	smov.u32 s18  }
.LBB1_1:
0x18: {  	p0 =	sge.u32 s13, s5  }
0x19: {  	s17 =	smul.u32 @!p0 $0xC00, s12  }
0x1a: {  	s31 =	sadd.s32 $0xFFFFFFFF, s13;
	s16 =	sxor.u32 @!p0 $0xFFFFFFFF, s13;
	s18 =	sshll.u32 @!p0 s11, $0x7  }
0x1b: {  	s19 =	simm.s32 @!p0 $0x6000;
	s16 =	sshll.u32 @!p0 s16, $0xE;
	s17 =	sadd.s32 @!p0 s3, s17  }
0x1c: {  	s16 =	sand.u32 @!p0 $0x4000, s16;
	s17 =	sadd.s32 @!p0 s18, s17;
	s18 =	simm.s32 @!p0 $0x2000  }
0x1d: {  	[tilespmem:s16], [sflag:$0x1] =	stream.strided.gather @!p0 [hbm4b:s17+s18], $0x4000, s19, s18, $0x38;
	[tilespmem:$0x10000] =	vst v63  }
0x1e: {  	p0 =	sge.u32 s31, s5  }
.Ltmp2:
0x1f: {  	_ = 	snop;
	(pc) =	sbr.rel @p0 .LBB1_9-.Ltmp2, $1  }
0x20: {  	_ =	sdelay $0x3  }
0x21: {  	s16 =	sshll.u32 s10, $0x2  }
0x22: {  	_ =	swait.ge [sflag:s4], $0x4000;
	s17 =	sshll.u32 s13, $0xE;
	s19 =	simm.s32 $0x0  }
0x23: {  	p1 =	por $0x1, $0x1;
	s16 =	sand.u32 $0x10000, s16;
	[sflag:s4] =	ssyncset.done $0x0  }
0x24: {  	s17 =	sand.u32 $0x4000, s17;
	s18 =	sshrl.u32 s16, $0x2;
	[sflag:s4] =	ssyncadd.s32 $0xFFFFC000  }
0x25: {  	s16 =	sor.u32 $0x8000, s17;
	s17 =	sadd.s32 $0x8040, s18;
	s18 =	sadd.s32 $0x40, s18  }
.LBB1_3:
0x26: {  	s19 =	sshll.u32 s19, $0x2  }
0x27: {  	p0 =	por p1, p1;
	s20 =	sshra.s32 s19, $0x2  }
0x28: {  	s21 =	simm.s32 $0x0;
	s19 =	sadd.s32 s20, s17;
	s20 =	sadd.s32 s20, s18  }
.LBB1_4:
0x29: {  	v0 =	vmov s20;
	_ =	sdelay $0x3  }
0x2a: {  	s23 =	simm.s32 $0x0  }
0x2b: {  	v6 =	vld.idx.msk [tilespmem:v0+s23+$0x30 ss:$0x1], $0xffff  }
0x2c: {  	v7 =	vld.idx.msk [tilespmem:v0+s23+$0xFFFFFFC0 ss:$0x1], $0xffff  }
0x2d: {  	v5 =	vld.idx.msk [tilespmem:v0+s23+$0xFFFFFFD0 ss:$0x1], $0xffff  }
0x2e: {  	v4 =	vld.idx.msk [tilespmem:v0+s23+$0xFFFFFFE0 ss:$0x1], $0xffff  }
0x2f: {  	v3 =	vld.idx.msk [tilespmem:v0+s23+$0xFFFFFFF0 ss:$0x1], $0xffff  }
0x30: {  	v1 =	vld.idx.msk [tilespmem:v0+s23+$0x0 ss:$0x1], $0xffff  }
0x31: {  	v2 =	vld.idx.msk [tilespmem:v0+s23+$0x10 ss:$0x1], $0xffff;
	[tilespmem:s19+$0x30] =	vst v6  }
0x32: {  	s22 =	simm.s32 $0x80;
	s24 =	simm.s32 $0x400;
	[tilespmem:s19+$0xFFFFFFC0] =	vst v7;
	v6 =	vld.idx.msk [tilespmem:v0+s23+$0x20 ss:$0x1], $0xffff;
	s23 =	smov.u32 s19  }
.LBB1_5:
0x33: {  	p1 =	sne.s32 s24, $0xE00;
	v7 =	vld.idx.msk [tilespmem:v0+s22+$0x30 ss:$0x1], $0xffff;
	[tilespmem:s23+$0xFFFFFFD0] =	vst v5  }
0x34: {  	v8 =	vld.idx.msk [tilespmem:v0+s22+$0xFFFFFFC0 ss:$0x1], $0xffff;
	[tilespmem:s23+$0xFFFFFFE0] =	vst v4  }
0x35: {  	v5 =	vld.idx.msk [tilespmem:v0+s22+$0xFFFFFFD0 ss:$0x1], $0xffff;
	[tilespmem:s23+$0xFFFFFFF0] =	vst v3  }
.Ltmp3:
0x36: {  	v4 =	vld.idx.msk [tilespmem:v0+s22+$0xFFFFFFE0 ss:$0x1], $0xffff;
	[tilespmem:s23+$0x0] =	vst v1;
	(pc) =	sbr.rel @p1 .LBB1_5-.Ltmp3, $4  }
0x37: {  	v3 =	vld.idx.msk [tilespmem:v0+s22+$0xFFFFFFF0 ss:$0x1], $0xffff;
	[tilespmem:s23+$0x10] =	vst v2  }
0x38: {  	v1 =	vld.idx.msk [tilespmem:v0+s22+$0x0 ss:$0x1], $0xffff;
	[tilespmem:s23+$0x20] =	vst v6;
	s23 =	sadd.s32 $0x400, s23  }
0x39: {  	v2 =	vld.idx.msk [tilespmem:v0+s22+$0x10 ss:$0x1], $0xffff;
	[tilespmem:s23+$0x30] =	vst v7  }
0x3a: {  	[tilespmem:s23+$0xFFFFFFC0] =	vst v8;
	v6 =	vld.idx.msk [tilespmem:v0+s22+$0x20 ss:$0x1], $0xffff;
	s22 =	sshra.s32 s24, $0x2;
	s24 =	sadd.s32 $0x200, s24  }
0x3b: {  	_ =	sdelay $0x2  }
0x3c: {  	[tilespmem:s23+$0xFFFFFFD0] =	vst v5  }
0x3d: {  	v56 =	vld.idx.msk [tilespmem:v0+s22+$0x30 ss:$0x1], $0xffff;
	[tilespmem:s23+$0xFFFFFFE0] =	vst v4  }
0x3e: {  	v57 =	vld.idx.msk [tilespmem:v0+s22+$0xFFFFFFC0 ss:$0x1], $0xffff;
	[tilespmem:s23+$0xFFFFFFF0] =	vst v3  }
0x3f: {  	v58 =	vld.idx.msk [tilespmem:v0+s22+$0xFFFFFFD0 ss:$0x1], $0xffff;
	[tilespmem:s23+$0x0] =	vst v1  }
0x40: {  	v59 =	vld.idx.msk [tilespmem:v0+s22+$0xFFFFFFE0 ss:$0x1], $0xffff;
	[tilespmem:s23+$0x10] =	vst v2  }
0x41: {  	v60 =	vld.idx.msk [tilespmem:v0+s22+$0xFFFFFFF0 ss:$0x1], $0xffff;
	s31 =	sadd.s32 $0x400, s23;
	[tilespmem:s23+$0x20] =	vst v6  }
0x42: {  	v61 =	vld.idx.msk [tilespmem:v0+s22+$0x0 ss:$0x1], $0xffff;
	[tilespmem:s31+$0x30] =	vst v56  }
0x43: {  	v62 =	vld.idx.msk [tilespmem:v0+s22+$0x10 ss:$0x1], $0xffff;
	s21 =	sadd.s32 $0x1, s21;
	[tilespmem:s31+$0xFFFFFFC0] =	vst v57  }
0x44: {  	v63 =	vld.idx.msk [tilespmem:v0+s22+$0x20 ss:$0x1], $0xffff;
	p1 =	sne.s32 s21, $0x8;
	[tilespmem:s31+$0xFFFFFFD0] =	vst v58  }
.Ltmp4:
0x45: {  	[tilespmem:s31+$0xFFFFFFE0] =	vst v59;
	(pc) =	sbr.rel @p1 .LBB1_4-.Ltmp4, $4  }
0x46: {  	[tilespmem:s31+$0xFFFFFFF0] =	vst v60  }
0x47: {  	[tilespmem:s31+$0x0] =	vst v61  }
0x48: {  	[tilespmem:s31+$0x10] =	vst v62  }
0x49: {  	s19 =	sadd.s32 $0x80, s19;
	s20 =	sadd.s32 $0x400, s20;
	[tilespmem:s31+$0x20] =	vst v63  }
.Ltmp5:
0x4a: {  	(pc) =	sbr.rel @p0 .LBB1_3-.Ltmp5, $2  }
0x4b: {  	_ =	sdelay $0x2  }
0x4c: {  	s19 =	simm.s32 $0x2000;
	p1 =	por $0x0, $0x0  }
0x4d: {  	s14 =	sand.u32 $0x1FFFFFF, s14  }
0x4e: {  	s17 =	smulhi.u32 $0xAAAAAAB, s14  }
0x4f: {  	s15 =	smul.u32 $0xC00, s15  }
0x50: {  	s17 =	smul.u32 $0x18, s17  }
.Ltmp6:
0x51: {  	_ = 	snop;
	(pc) =	sbr.rel .LBB1_9-.Ltmp6, $4  }
0x52: {  	s14 =	ssub.s32 s14, s17  }
0x53: {  	s15 =	sadd.s32 s6, s15;
	s14 =	sshll.u32 s14, $0x4  }
0x54: {  	s14 =	sadd.s32 s14, s15  }
0x55: {  	[hbm4b:s14+s8] =	stream.strided.scatter [tilespmem:s16], [sflag:$0x2], $0x4000, s9, s8, $0x38;
	[tilespmem:$0x10000] =	vst v63  }
.LBB1_10:
0x56: {  	_ =	sfence.sel $0x180000  }
0x57: {  	s2 =	simm.s32 $0x1;
	[bflag:$0x0] =	sbarrier.arrive $0xFFFF  }
0x58: {  	s31 =	simm.s32 $0x2;
	[sflag:s2] =	ssyncpa.u1 $0x1  }
0x59: {  	[sflag:s31] =	ssyncpa.u1 $0x1  }
0x5a: {  	p0 =	sne.s32 s0, $0x0;
	_ =	strace $0x90000047  }
0x5b: {  	s0 =	sadd.s32 @!p0 $0x100000, s1;
	[bflag:$0x2] =	sbarrier.arrive $0xFFFF  }
0x5c: {  	[sflag:s0] =	ssyncadd.tile.s32 @!p0 $0x1;
	_ =	shalt  }
.Lfunc_end1:
_tile_overlayer_lowered:
.L_overlay_start_2:
0x5d: {  	(tag) =	ssettag $0x2  }
0x5e: {  	s0 =	rddreg [dreg:$0x0];
	s2 =	stileid.u32  }
0x5f: {  	s1 =	rddreg [dreg:$0x1];
	p0 =	sne.s32 s2, $0x0  }
0x60: {  	s3 =	rddreg [dreg:$0x2];
	[bflag:$0x3] =	sbarrier.arrive $0xFFFF;
	s2 =	simm.s32 @!p0 $0x1C01  }
0x61: {  	[timem:s3], [sflag:s2] =	dma.local @!p0 [hbm:s0], s1  }
0x62: {  	s0 =	simm.s32 @!p0 $0x1  }
0x63: {  	_ =	swait.ge @!p0 [sflag:s0], s1  }
0x64: {  	s1 =	ssub.s32 @!p0 $0x0, s1;
	[sflag:s0] =	ssyncset.done @!p0 $0x0  }
0x65: {  	[sflag:s0] =	ssyncadd.s32 @!p0 s1  }
0x66: {  	[bflag:$0x3] =	sbarrier.arrive $0xFFFF  }
0x67: {  	_ =	shalt  }

// kernel: sparse-core-data-format-call.cloned.1.call-start
scs
called_computation_lowered:
.L_overlay_start_0:
0x0: {  	s1 =	sld [smem:$0x3FD9]  }
0x1: {  	s2 =	sld [smem:$0x3FFE];
	_ =	sdelay $0x1  }
0x2: {  	s3 =	srdreg.scid  }
0x3: {  	s0 =	sand.u32 $0x1, s3  }
0x4: {  	s17 =	sshll.u32 s0, $0xA;
	s1 =	sadd.s32 s2, s1  }
0x5: {  	s1 =	sadd.s32 s1, s17  }
0x6: {  	[smem:$0x3FC7] =	sst s1  }
0x7: {  	_ = 	snop  }
0x8: {  	(tm) =	ssettm $0x1  }
0x9: {  	s18 =	sld [smem:$0x3FFB];
	_ =	sdelay $0x3  }
0xa: {  	_ =	strace s18  }
0xb: {  	s1 =	sld [smem:$0x3FFC];
	_ =	sdelay $0x3  }
0xc: {  	_ =	strace s1  }
0xd: {  	s1 =	sld [smem:$0x3FFD];
	_ =	sdelay $0x3  }
0xe: {  	_ =	strace s1  }
0xf: {  	_ =	strace $0x8FFFFFFF  }
0x10: {  	s19 =	sld [smem:$0x3FDB];
	_ =	sdelay $0x1  }
0x11: {  	s20 =	simm.s32 $_scs_section_size  }
0x12: {  	s4 =	simm.s32 $_size__tile_overlayer_lowered;
	s5 =	simm.s32 $_tile_overlayer_lowered  }
0x13: {  	s23 =	simm.s32 $0x1BFF;
	s22 =	sshll.u32 s5, $0x1;
	s1 =	sadd.s32 s20, s19  }
0x14: {  	s6 =	simm.s32 $0x0;
	s21 =	sshll.u32 s4, $0x1;
	s4 =	sadd.s32 s22, s1  }
0x15: {  	[timem:s6], [sflag:s23] =	dma.local [hbm:s4], s21  }
0x16: {  	_ =	swait.ge [sflag:s23], s21  }
0x17: {  	s2 =	ssub.s32 $0x0, s21;
	[sflag:s23] =	ssyncset.done $0x0  }
0x18: {  	[sflag:s23] =	ssyncadd.s32 s2;
	_ =	sdelay $0x1  }
0x19: {  	s24 =	simm.s32 $0x1B8B  }
0x1a: {  	_ =	swait.ge [sflag:s24], $0x1  }
0x1b: {  	[sflag:s24] =	ssyncset.done $0x0  }
0x1c: {  	s26 =	simm.s32 $0x1B8E;
	s25 =	sld [smem:$0x3FFE];
	[sflag:s24] =	ssyncadd.s32 $0xFFFFFFFF  }
0x1d: {  	s27 =	simm.s32 $execute0_lowered;
	[smem:$0x3FD2] =	sst s26  }
0x1e: {  	s4 =	sshll.u32 s27, $0x1;
	_ =	strace $0x80000049;
	[dreg:$0x1] =	wrdreg $0xFFFFFFFF  }
0x1f: {  	s28 =	simm.s32 $_size_execute0_lowered;
	s1 =	sadd.s32 s1, s4;
	[dreg:$0x0] =	wrdreg $0x0  }
0x20: {  	s4 =	sshll.u32 s28, $0x1;
	[dreg:$0x2] =	wrdreg s1  }
0x21: {  	[dreg:$0x3] =	wrdreg s4  }
0x22: {  	[dreg:$0x4] =	wrdreg $0xC0  }
0x23: {  	_ =	task [dreg:s6], $0x5FFFF  }
0x24: {  	[dreg:$0x1] =	wrdreg $0xFFFFFFFF  }
0x25: {  	[dreg:$0x0] =	wrdreg $0x60  }
0x26: {  	[dreg:$0x2] =	wrdreg s25  }
0x27: {  	[dreg:$0x3] =	wrdreg $0x9  }
0x28: {  	_ =	task.clear_ibuf [dreg:s6], $0x4FFFF;
	_ =	strace $0x90000049  }
0x29: {  	s29 =	simm.s32 $0x9;
	_ =	strace $0x8000004B  }
0x2a: {  	_ =	swait.ge [sflag:s29], $0x1  }
0x2b: {  	[sflag:s29] =	ssyncadd.s32 $0xFFFFFFFF  }
0x2c: {  	_ =	strace $0x9000004B  }
0x2d: {  	_ =	sfence  }
0x2e: {  	s30 =	sld [smem:$0x0];
	_ =	sdelay $0x2  }
0x2f: {  	s31 =	sshll.u32 s3, $0xD;
	s3 =	sshrl.u32 s3, $0x2  }
0x30: {  	s2 =	sand.u32 $0x4000, s31;
	s1 =	sadd.s32 s3, s30  }
0x31: {  	s0 =	sor.u32 s2, s0;
	s1 =	sshll.u32 s1, $0x11  }
0x32: {  	s0 =	sor.u32 s1, s0  }
0x33: {  	s0 =	sadd.s32 $0x8F2B, s0  }
0x34: {  	[sflag:s0] =	ssyncadd.remote.s32 $0x1  }
0x35: {  	_ =	sfence.sel $0xFFFF  }
0x36: {  	[dreg:$0x0] =	wrdreg $0xFFFFFFFF;
	(pc) =	sbr.abs _section_cstart, $3  }
0x37: {  	[dreg:$0x1] =	wrdreg $0xFFFFFFFF  }
0x38: {  	_ =	task.clear_ibuf [dreg:s6], $0x2FFFF;
	_ =	strace $0x9FFFFFFF  }
0x39: {  	(tm) =	ssettm $0x7FFFFFFF  }
tec
execute0_lowered:
.L_overlay_start_1:
0x0: {  	(tag) =	ssettag $0x1  }
0x1: {  	s0 =	stileid.u32  }
0x2: {  	s2 =	srdreg.scid;
	s8 =	rddreg [dreg:$0x0];
	s9 =	simm.s32 $0x2  }
0x3: {  	s18 =	simm.s32 $0x0;
	s10 =	simm.s32 $0x400;
	s11 =	simm.s32 $0x93000  }
0x4: {  	s1 =	sand.u32 $0x1, s0;
	s3 =	sshll.u32 s2, $0x4;
	s2 =	sshrl.u32 s0, $0x1  }
0x5: {  	s4 =	ssub.s32 $0x2, s1;
	s3 =	sand.u32 $0x10, s3;
	s6 =	ssub.s32 $0xCB, s2  }
0x6: {  	s5 =	sshrl.u32 s4, $0x1;
	s4 =	sand.u32 $0x1, s4;
	s7 =	ssub.s32 $0x20, s3  }
0x7: {  	s29 =	sshrl.u32 s6, $0x3;
	s4 =	sadd.s32 s4, s5;
	s30 =	sshrl.u32 s7, $0x4  }
0x8: {  	s7 =	sshrl.u32 s7, $0x5;
	s6 =	sand.u32 $0x1, s30;
	s4 =	smul.u32 s4, s29  }
0x9: {  	s12 =	simm.s32 $0x0;
	s19 =	simm.s32 $0x0;
	s31 =	sadd.s32 s7, s6  }
0xa: {  	s20 =	simm.s32 $0x0;
	s21 =	simm.s32 $0x0;
	s6 =	smul.u32 s31, s4  }
.Ltmp0:
0xb: {  	s13 =	simm.s32 $0x0;
	s17 =	simm.s32 $0x0;
	(pc) =	sbr.rel .LBB1_1-.Ltmp0, $4  }
0xc: {  	s15 =	smov.u32 s2;
	s16 =	smov.u32 s1;
	s5 =	simm.s32 $0x1  }
0xd: {  	s4 =	rddreg [dreg:$0x1];
	_ =	strace $0x8000004A;
	s6 =	smul.u32 $0x3, s6  }
0xe: {  	s14 =	smov.u32 s3;
	s7 =	sadd.s32 $0x498A00, s8;
	[sflag:s5] =	ssyncpa.u1 $0x0  }
0xf: {  	s8 =	sadd.s32 $0xA00, s8;
	[sflag:s9] =	ssyncpa.u1 $0x0;
	s9 =	sadd.s32 $0x1, s6  }
.LBB1_7:
0x10: {  	s22 =	sadd.s32 $0x8, s13  }
0x11: {  	s18 =	sadd.s32 $0x20, s14;
	s23 =	smov.u32 s14;
	p1 =	sgt.s32 s22, $0x17  }
0x12: {  	s23 =	smov.u32 @p1 s18  }
0x13: {  	s24 =	smov.u32 s15;
	s18 =	sadd.s32 $0x8, s15;
	p2 =	sgt.s32 s23, $0x1F  }
0x14: {  	s24 =	smov.u32 @p2 s18  }
0x15: {  	s25 =	smov.u32 s16;
	s18 =	sadd.s32 $0x2, s16;
	p3 =	sgt.s32 s24, $0xC3  }
0x16: {  	p0 =	slt.u32 s17, $0x2;
	s25 =	smov.u32 @p3 s18  }
0x17: {  	s19 =	smov.u32 s14;
	s22 =	simm.s32 @p1 $0x0;
	p1 =	sgt.s32 s25, $0x1  }
0x18: {  	s26 =	simm.s32 @!p0 $0x2;
	s25 =	smov.u32 @p1 s1;
	p1 =	sne.s32 s17, s9  }
.Ltmp1:
0x19: {  	s20 =	smov.u32 s15;
	_ =	swait.ge @!p0 [sflag:s26], $0x4000;
	(pc) =	sbr.rel @!p1 .LBB1_8-.Ltmp1, $4  }
0x1a: {  	s21 =	smov.u32 s16;
	[sflag:s26] =	ssyncset.done @!p0 $0x0;
	s23 =	smov.u32 @p2 s3  }
0x1b: {  	s12 =	sadd.s32 $0x4000, s12;
	[sflag:s26] =	ssyncadd.s32 @!p0 $0xFFFFC000;
	s14 =	smov.u32 s23  }
0x1c: {  	s24 =	smov.u32 @p3 s2;
	s18 =	smov.u32 s13;
	s13 =	smov.u32 s22  }
0x1d: {  	s15 =	smov.u32 s24;
	s17 =	sadd.s32 $0x1, s17;
	s16 =	smov.u32 s25  }
.LBB1_1:
0x1e: {  	p0 =	sge.u32 s17, s6  }
0x1f: {  	s22 =	sand.u32 @!p0 $0x1FFFFFF, s13;
	s24 =	smul.u32 @!p0 $0x24C000, s16  }
0x20: {  	s23 =	smulhi.u32 @!p0 $0xAAAAAAB, s22  }
0x21: {  	s25 =	smul.u32 @!p0 $0x3000, s15  }
0x22: {  	s31 =	sadd.s32 $0xFFFFFFFF, s17;
	s23 =	smul.u32 @!p0 $0x18, s23  }
0x23: {  	s26 =	sxor.u32 @!p0 $0xFFFFFFFF, s17;
	s27 =	smul.u32 @!p0 $0x180, s14;
	s24 =	sadd.s32 @!p0 s7, s24  }
0x24: {  	s24 =	sadd.s32 @!p0 s25, s24;
	s25 =	simm.s32 @!p0 $0xC00;
	s22 =	ssub.s32 @!p0 s22, s23  }
0x25: {  	s24 =	sadd.s32 @!p0 s27, s24;
	s23 =	sshll.u32 @!p0 s26, $0xE;
	s22 =	sshll.u32 @!p0 s22, $0x4  }
0x26: {  	s23 =	sand.u32 @!p0 $0x4000, s23;
	s22 =	sadd.s32 @!p0 s22, s24;
	s24 =	simm.s32 @!p0 $0x400  }
0x27: {  	[tilespmem:s23], [sflag:$0x1] =	stream.strided.gather @!p0 [hbm4b:s22+s24], $0x4000, s25, s24, $0x38;
	[tilespmem:$0x10000] =	vst v63  }
0x28: {  	p0 =	sge.u32 s31, s6  }
.Ltmp2:
0x29: {  	_ = 	snop;
	(pc) =	sbr.rel @p0 .LBB1_7-.Ltmp2, $1  }
0x2a: {  	_ =	sdelay $0x3  }
0x2b: {  	s22 =	sand.u32 $0x4000, s12  }
0x2c: {  	_ =	swait.ge [sflag:s5], $0x4000;
	s25 =	sshll.u32 s17, $0xE;
	s23 =	sor.u32 $0x8040, s22  }
0x2d: {  	s24 =	sor.u32 $0x40, s22;
	[sflag:s5] =	ssyncset.done $0x0;
	s31 =	sand.u32 $0x4000, s25  }
0x2e: {  	s25 =	simm.s32 $0x0;
	[sflag:s5] =	ssyncadd.s32 $0xFFFFC000;
	s22 =	sor.u32 $0x8000, s31  }
.LBB1_3:
0x2f: {  	v1 =	vmov s24;
	_ =	sdelay $0x3  }
0x30: {  	s26 =	simm.s32 $0x0  }
0x31: {  	v7 =	vld.idx.msk [tilespmem:v1+s26+$0x30 ss:$0x1], $0xffff  }
0x32: {  	v0 =	vmov s23;
	v8 =	vld.idx.msk [tilespmem:v1+s26+$0xFFFFFFC0 ss:$0x1], $0xffff  }
0x33: {  	v6 =	vld.idx.msk [tilespmem:v1+s26+$0xFFFFFFD0 ss:$0x1], $0xffff  }
0x34: {  	v5 =	vld.idx.msk [tilespmem:v1+s26+$0xFFFFFFE0 ss:$0x1], $0xffff  }
0x35: {  	v4 =	vld.idx.msk [tilespmem:v1+s26+$0xFFFFFFF0 ss:$0x1], $0xffff  }
0x36: {  	v2 =	vld.idx.msk [tilespmem:v1+s26+$0x0 ss:$0x1], $0xffff  }
0x37: {  	v3 =	vld.idx.msk [tilespmem:v1+s26+$0x10 ss:$0x1], $0xffff;
	[tilespmem:v0+s26+$0x30 ss:$0x1] =	vst.idx.msk $0xffff, v7  }
0x38: {  	s27 =	simm.s32 $0x80;
	s28 =	simm.s32 $0x400;
	[tilespmem:v0+s26+$0xFFFFFFC0 ss:$0x1] =	vst.idx.msk $0xffff, v8;
	v7 =	vld.idx.msk [tilespmem:v1+s26+$0x20 ss:$0x1], $0xffff  }
.LBB1_4:
0x39: {  	p0 =	sne.s32 s28, $0xE00;
	v8 =	vld.idx.msk [tilespmem:v1+s27+$0x30 ss:$0x1], $0xffff;
	[tilespmem:v0+s26+$0xFFFFFFD0 ss:$0x1] =	vst.idx.msk $0xffff, v6  }
0x3a: {  	v9 =	vld.idx.msk [tilespmem:v1+s27+$0xFFFFFFC0 ss:$0x1], $0xffff;
	[tilespmem:v0+s26+$0xFFFFFFE0 ss:$0x1] =	vst.idx.msk $0xffff, v5  }
0x3b: {  	v6 =	vld.idx.msk [tilespmem:v1+s27+$0xFFFFFFD0 ss:$0x1], $0xffff;
	[tilespmem:v0+s26+$0xFFFFFFF0 ss:$0x1] =	vst.idx.msk $0xffff, v4  }
.Ltmp3:
0x3c: {  	v5 =	vld.idx.msk [tilespmem:v1+s27+$0xFFFFFFE0 ss:$0x1], $0xffff;
	[tilespmem:v0+s26+$0x0 ss:$0x1] =	vst.idx.msk $0xffff, v2;
	(pc) =	sbr.rel @p0 .LBB1_4-.Ltmp3, $4  }
0x3d: {  	v4 =	vld.idx.msk [tilespmem:v1+s27+$0xFFFFFFF0 ss:$0x1], $0xffff;
	[tilespmem:v0+s26+$0x10 ss:$0x1] =	vst.idx.msk $0xffff, v3  }
0x3e: {  	v2 =	vld.idx.msk [tilespmem:v1+s27+$0x0 ss:$0x1], $0xffff;
	[tilespmem:v0+s26+$0x20 ss:$0x1] =	vst.idx.msk $0xffff, v7;
	s26 =	smov.u32 s27  }
0x3f: {  	v3 =	vld.idx.msk [tilespmem:v1+s26+$0x10 ss:$0x1], $0xffff;
	[tilespmem:v0+s26+$0x30 ss:$0x1] =	vst.idx.msk $0xffff, v8  }
0x40: {  	s27 =	sshra.s32 s28, $0x2;
	s28 =	sadd.s32 $0x200, s28;
	[tilespmem:v0+s26+$0xFFFFFFC0 ss:$0x1] =	vst.idx.msk $0xffff, v9;
	v7 =	vld.idx.msk [tilespmem:v1+s26+$0x20 ss:$0x1], $0xffff  }
0x41: {  	_ =	sdelay $0x3  }
0x42: {  	[tilespmem:v0+s26+$0xFFFFFFD0 ss:$0x1] =	vst.idx.msk $0xffff, v6  }
0x43: {  	v56 =	vld.idx.msk [tilespmem:v1+s27+$0x30 ss:$0x1], $0xffff;
	[tilespmem:v0+s26+$0xFFFFFFE0 ss:$0x1] =	vst.idx.msk $0xffff, v5  }
0x44: {  	v57 =	vld.idx.msk [tilespmem:v1+s27+$0xFFFFFFC0 ss:$0x1], $0xffff;
	[tilespmem:v0+s26+$0xFFFFFFF0 ss:$0x1] =	vst.idx.msk $0xffff, v4  }
0x45: {  	v58 =	vld.idx.msk [tilespmem:v1+s27+$0xFFFFFFD0 ss:$0x1], $0xffff;
	[tilespmem:v0+s26+$0x0 ss:$0x1] =	vst.idx.msk $0xffff, v2  }
0x46: {  	v59 =	vld.idx.msk [tilespmem:v1+s27+$0xFFFFFFE0 ss:$0x1], $0xffff;
	[tilespmem:v0+s26+$0x10 ss:$0x1] =	vst.idx.msk $0xffff, v3  }
0x47: {  	v60 =	vld.idx.msk [tilespmem:v1+s27+$0xFFFFFFF0 ss:$0x1], $0xffff;
	[tilespmem:v0+s26+$0x20 ss:$0x1] =	vst.idx.msk $0xffff, v7  }
0x48: {  	v61 =	vld.idx.msk [tilespmem:v1+s27+$0x0 ss:$0x1], $0xffff;
	[tilespmem:v0+s27+$0x30 ss:$0x1] =	vst.idx.msk $0xffff, v56  }
0x49: {  	v62 =	vld.idx.msk [tilespmem:v1+s27+$0x10 ss:$0x1], $0xffff;
	s25 =	sadd.s32 $0x1, s25;
	[tilespmem:v0+s27+$0xFFFFFFC0 ss:$0x1] =	vst.idx.msk $0xffff, v57  }
0x4a: {  	v63 =	vld.idx.msk [tilespmem:v1+s27+$0x20 ss:$0x1], $0xffff;
	p0 =	sne.s32 s25, $0x10;
	[tilespmem:v0+s27+$0xFFFFFFD0 ss:$0x1] =	vst.idx.msk $0xffff, v58  }
.Ltmp4:
0x4b: {  	[tilespmem:v0+s27+$0xFFFFFFE0 ss:$0x1] =	vst.idx.msk $0xffff, v59;
	(pc) =	sbr.rel @p0 .LBB1_3-.Ltmp4, $4  }
0x4c: {  	[tilespmem:v0+s27+$0xFFFFFFF0 ss:$0x1] =	vst.idx.msk $0xffff, v60  }
0x4d: {  	[tilespmem:v0+s27+$0x0 ss:$0x1] =	vst.idx.msk $0xffff, v61  }
0x4e: {  	[tilespmem:v0+s27+$0x10 ss:$0x1] =	vst.idx.msk $0xffff, v62  }
0x4f: {  	s23 =	sadd.s32 $0x400, s23;
	s24 =	sadd.s32 $0x400, s24;
	[tilespmem:v0+s27+$0x20 ss:$0x1] =	vst.idx.msk $0xffff, v63  }
0x50: {  	s21 =	smul.u32 $0x24C000, s21  }
0x51: {  	s18 =	sand.u32 $0x1FFFFFF, s18;
	s20 =	smul.u32 $0x180, s20  }
0x52: {  	s23 =	smulhi.u32 $0xAAAAAAB, s18  }
0x53: {  	s19 =	smul.u32 $0x12600, s19  }
0x54: {  	s23 =	smul.u32 $0x18, s23  }
.Ltmp5:
0x55: {  	s21 =	sadd.s32 s8, s21;
	(pc) =	sbr.rel .LBB1_7-.Ltmp5, $4  }
0x56: {  	s20 =	sadd.s32 s20, s21;
	s18 =	ssub.s32 s18, s23  }
0x57: {  	s19 =	sadd.s32 s19, s20;
	s18 =	sshll.u32 s18, $0x4  }
0x58: {  	s18 =	sadd.s32 s18, s19  }
0x59: {  	[hbm4b:s18+s10] =	stream.strided.scatter [tilespmem:s22], [sflag:$0x2], $0x4000, s11, s10, $0x38;
	[tilespmem:$0x10000] =	vst v63  }
.LBB1_8:
0x5a: {  	_ =	sfence.sel $0x180000  }
0x5b: {  	s1 =	simm.s32 $0x1;
	[bflag:$0x0] =	sbarrier.arrive $0xFFFF  }
0x5c: {  	s31 =	simm.s32 $0x2;
	[sflag:s1] =	ssyncpa.u1 $0x1  }
0x5d: {  	[sflag:s31] =	ssyncpa.u1 $0x1  }
0x5e: {  	p0 =	sne.s32 s0, $0x0;
	_ =	strace $0x9000004A  }
0x5f: {  	s0 =	sadd.s32 @!p0 $0x100000, s4;
	[bflag:$0x2] =	sbarrier.arrive $0xFFFF  }
0x60: {  	[sflag:s0] =	ssyncadd.tile.s32 @!p0 $0x1;
	_ =	shalt  }
.Lfunc_end1:
_tile_overlayer_lowered:
.L_overlay_start_2:
0x61: {  	(tag) =	ssettag $0x2  }
0x62: {  	s0 =	rddreg [dreg:$0x0];
	s2 =	stileid.u32  }
0x63: {  	s1 =	rddreg [dreg:$0x1];
	p0 =	sne.s32 s2, $0x0  }
0x64: {  	s3 =	rddreg [dreg:$0x2];
	[bflag:$0x3] =	sbarrier.arrive $0xFFFF;
	s2 =	simm.s32 @!p0 $0x1C01  }
0x65: {  	[timem:s3], [sflag:s2] =	dma.local @!p0 [hbm:s0], s1  }
0x66: {  	s0 =	simm.s32 @!p0 $0x1  }
0x67: {  	_ =	swait.ge @!p0 [sflag:s0], s1  }
0x68: {  	s1 =	ssub.s32 @!p0 $0x0, s1;
	[sflag:s0] =	ssyncset.done @!p0 $0x0  }
0x69: {  	[sflag:s0] =	ssyncadd.s32 @!p0 s1  }
0x6a: {  	[bflag:$0x3] =	sbarrier.arrive $0xFFFF  }
0x6b: {  	_ =	shalt  }

</sc_bundles>
